<compile_context>
chip_gen: v7x
topology: tpu7x:2x2x1
jax: 0.10.2.dev20260603
libtpu: 0.0.44.dev20260713+nightly
codegen_flags: <defaults>
</compile_context>

<pallas_src>
import functools

import jax
import jax.numpy as jnp
import numpy as np
from jax import lax
from jax.experimental import pallas as pl
from jax.experimental.pallas import tpu as pltpu
from jax.experimental.pallas import tpu_sc as plsc

_BATCH = 32
_EMB = 96
_D1 = 128
_D2 = 128
_N = _D1 * _D2
_SAMPLES = 64
_PER_W = _SAMPLES * _EMB


_ROT = ((13, 15, 26, 6), (17, 29, 16, 24))


def _threefry2x32(k1, k2, x0, x1):
    x0 = np.asarray(x0, np.uint32).copy()
    x1 = np.asarray(x1, np.uint32).copy()
    ks = (np.uint32(k1), np.uint32(k2),
          np.uint32(int(k1) ^ int(k2) ^ 0x1BD11BDA))
    x0 += ks[0]
    x1 += ks[1]
    for i in range(5):
        for r in _ROT[i % 2]:
            x0 += x1
            x1 = (x1 << np.uint32(r)) | (x1 >> np.uint32(32 - r))
            x1 ^= x0
        x0 += ks[(i + 1) % 3]
        x1 += ks[(i + 2) % 3]
        x1 += np.uint32(i + 1)
    return x0, x1


def _split_bits(k1, k2, n):
    return _threefry2x32(k1, k2, np.zeros(n, np.uint32),
                         np.arange(n, dtype=np.uint32))


def _random_bits32(k1, k2, n):
    b1, b2 = _split_bits(k1, k2, n)
    return b1 ^ b2


def _shuffle(k1, k2, n):
    x = np.arange(n, dtype=np.int32)
    num_rounds = int(np.ceil(3 * np.log(n) / np.log(4294967295)))
    for _ in range(num_rounds):
        b1, b2 = _split_bits(k1, k2, 2)
        k1, k2 = b1[0], b2[0]
        sort_keys = _random_bits32(b1[1], b2[1], n)
        x = x[np.argsort(sort_keys, kind="stable")]
    return x


@functools.lru_cache(maxsize=1)
def _flat_offsets() -> np.ndarray:
    b1, b2 = _split_bits(np.uint32(0), np.uint32(42), _BATCH)
    idx = np.empty((_BATCH, _SAMPLES), np.int64)
    for b in range(_BATCH):
        idx[b] = _shuffle(b1[b], b2[b], _N)[:_SAMPLES]
    p = np.arange(_BATCH * _PER_W, dtype=np.int64)
    a, rem = np.divmod(p, 16 * 8 * 128)
    b_blk, rem2 = np.divmod(rem, 8 * 128)
    d, e_r = np.divmod(rem2, 128)
    row = b_blk * 128 + e_r
    chan = a * 8 + d
    batch, s = np.divmod(row, _SAMPLES)
    offs = batch * (_EMB * _N) + chan * _N + idx[batch, s]
    return offs.reshape(_BATCH, _PER_W).astype(np.int32)


_OFFS = _flat_offsets()


_CHUNKS = 1
_CHUNK = _PER_W // _CHUNKS


def _make_gather():
    mesh = plsc.VectorSubcoreMesh(core_axis_name="c", subcore_axis_name="s")
    info = plsc.get_sparse_core_info()
    num_cores = info.num_cores

    @functools.partial(
        pl.kernel,
        mesh=mesh,
        out_type=jax.ShapeDtypeStruct((_BATCH * _PER_W,), jnp.float32),
        scratch_types=[
            pltpu.VMEM((_PER_W // 2,), jnp.int32),
            pltpu.VMEM((_PER_W // 2,), jnp.int32),
            pltpu.VMEM((_PER_W // 2,), jnp.float32),
            pltpu.VMEM((_PER_W // 2,), jnp.float32),
            pltpu.SemaphoreType.DMA,
            pltpu.SemaphoreType.DMA,
        ],
    )
    def gather(x_hbm, offs_hbm, out_hbm, idx_a, idx_b, val_a, val_b,
               sem_i, sem_g):
        w = lax.axis_index("s") * num_cores + lax.axis_index("c")
        half = _PER_W // 2
        base = w * _PER_W
        la = pltpu.async_copy(offs_hbm.at[pl.ds(base, half)], idx_a, sem_i)
        lb = pltpu.async_copy(offs_hbm.at[pl.ds(base + half, half)], idx_b,
                              sem_i)
        la.wait()
        ga = pltpu.async_copy(x_hbm.at[idx_a], val_a, sem_g)
        lb.wait()
        gb = pltpu.async_copy(x_hbm.at[idx_b], val_b, sem_g)
        ga.wait()
        pltpu.sync_copy(val_a, out_hbm.at[pl.ds(base, half)])
        gb.wait()
        pltpu.sync_copy(val_b, out_hbm.at[pl.ds(base + half, half)])

    return gather


def kernel(x):
    offs = jnp.asarray(_OFFS.reshape(-1))
    out_flat = _make_gather()(x.reshape(-1), offs)
    out4 = out_flat.reshape(_EMB // 8, _BATCH * _SAMPLES // 128, 8, 128)
    return out4.transpose(1, 3, 0, 2).reshape(_BATCH * _SAMPLES, _EMB)

# --- scband reference (transcript-rebuilt; emitter-appended) ---
"""Pipeline reference for scband-embedding-sampler-57243324121395 (READ-ONLY COPY).

The authoritative reference and input builder live on the scoring server;
editing this copy changes nothing except your own understanding.
"""

import jax, jax.numpy as jnp
import numpy as np

SAMPLES = 64

def setup_inputs(seed: int = 0) -> dict:
    key = jax.random.key(seed)
    x = jax.random.normal(key, (32, 96, 128, 128), dtype=jnp.float32)
    return {"x": x}

def reference(x):
    batch, emb_width, d1, d2 = x.shape
    n = d1 * d2
    # permute(0,2,3,1).reshape(B*d1*d2, emb_width)
    emb = jnp.transpose(x, (0, 2, 3, 1)).reshape(batch * n, emb_width)
    # torch.multinomial over uniform probs == uniform sampling without replacement per batch row
    key = jax.random.key(42)
    keys = jax.random.split(key, batch)
    def samp(k):
        return jax.random.choice(k, n, shape=(SAMPLES,), replace=False)
    idx = jax.vmap(samp)(keys)  # [batch, SAMPLES]
    offsets = jnp.arange(0, batch * n, n, dtype=idx.dtype)[:, None]
    flat_idx = (idx + offsets).reshape(-1)
    # torch.index_select -> gather rows
    return jnp.take(emb, flat_idx, axis=0)

if __name__ == "__main__":
    import jax
    _d = setup_inputs()
    print(jax.jit(kernel)(*tuple(_d.values())))

</pallas_src>

<mosaic_0001>
#map = affine_map<(d0, d1) -> (0)>
module attributes {stable_mosaic.version = 14 : i64} {
  func.func @gather(%arg0: i32, %arg1: i32, %arg2: memref<50331648xf32, #tpu.memory_space<hbm>>, %arg3: memref<196608xi32, #tpu.memory_space<hbm>>, %arg4: memref<196608xf32, #tpu.memory_space<hbm>>, %arg5: memref<3072xi32, #tpu.memory_space<vmem>>, %arg6: memref<3072xi32, #tpu.memory_space<vmem>>, %arg7: memref<3072xf32, #tpu.memory_space<vmem>>, %arg8: memref<3072xf32, #tpu.memory_space<vmem>>, %arg9: memref<!tpu.dma_semaphore, #tpu.memory_space<semaphore_mem>>, %arg10: memref<!tpu.dma_semaphore, #tpu.memory_space<semaphore_mem>>) attributes {dimension_semantics = [#tpu.dimension_semantics<core_parallel>, #tpu.dimension_semantics<subcore_parallel>], iteration_bounds = array<i64: 2, 16>, scalar_prefetch = 0 : i64, scratch_operands = 6 : i64, tpu.core_type = #tpu.core_type<sc_vector_subcore>, window_params = [{transform_indices = #map}, {transform_indices = #map}, {transform_indices = #map}]} {
    %mul3A = arith.constant 2 : i32
    %mul3A_0 = arith.muli %arg1, %mul3A : i32
    %add3A = arith.addi %mul3A_0, %arg0 : i32
    %mul3A_1 = arith.constant 6144 : i32
    %mul3A_2 = arith.muli %add3A, %mul3A_1 : i32
    %dma_start3A = tpu.memref_slice %arg3[%mul3A_2] : memref<196608xi32, #tpu.memory_space<hbm>> -> memref<3072xi32, #tpu.memory_space<hbm>>
    %dma_start3A_3 = tpu.memref_slice %arg3[%mul3A_2] : memref<196608xi32, #tpu.memory_space<hbm>> -> memref<3072xi32, #tpu.memory_space<hbm>>
    tpu.enqueue_dma source(%dma_start3A_3 : memref<3072xi32, #tpu.memory_space<hbm>>) target(%arg5 : memref<3072xi32, #tpu.memory_space<vmem>>) target_semaphore(%arg9 : memref<!tpu.dma_semaphore, #tpu.memory_space<semaphore_mem>>)
    %add3A_4 = arith.constant 3072 : i32
    %add3A_5 = arith.addi %mul3A_2, %add3A_4 : i32
    %dma_start3A_6 = tpu.memref_slice %arg3[%add3A_5] : memref<196608xi32, #tpu.memory_space<hbm>> -> memref<3072xi32, #tpu.memory_space<hbm>>
    %dma_start3A_7 = tpu.memref_slice %arg3[%add3A_5] : memref<196608xi32, #tpu.memory_space<hbm>> -> memref<3072xi32, #tpu.memory_space<hbm>>
    tpu.enqueue_dma source(%dma_start3A_7 : memref<3072xi32, #tpu.memory_space<hbm>>) target(%arg6 : memref<3072xi32, #tpu.memory_space<vmem>>) target_semaphore(%arg9 : memref<!tpu.dma_semaphore, #tpu.memory_space<semaphore_mem>>)
    %dma_wait3A = tpu.memref_slice %arg3[%mul3A_2] : memref<196608xi32, #tpu.memory_space<hbm>> -> memref<3072xi32, #tpu.memory_space<hbm>>
    %dma_wait3A_8 = tpu.memref_slice %arg3[%mul3A_2] : memref<196608xi32, #tpu.memory_space<hbm>> -> memref<3072xi32, #tpu.memory_space<hbm>>
    tpu.wait_dma2 semaphore(%arg9 : memref<!tpu.dma_semaphore, #tpu.memory_space<semaphore_mem>>) src(%dma_wait3A_8 : memref<3072xi32, #tpu.memory_space<hbm>>) dst(%arg5 : memref<3072xi32, #tpu.memory_space<vmem>>)
    %dma_start3A_9 = arith.constant 0 : i32
    %dma_start3A_10 = tpu.memref_slice %arg2[%dma_start3A_9] : memref<50331648xf32, #tpu.memory_space<hbm>> -> memref<50331648xf32, #tpu.memory_space<hbm>>
    tpu.enqueue_indirect_dma source(%dma_start3A_10 : memref<50331648xf32, #tpu.memory_space<hbm>>) target(%arg7 : memref<3072xf32, #tpu.memory_space<vmem>>) offsets(%arg5 : memref<3072xi32, #tpu.memory_space<vmem>>) semaphore(%arg10 : memref<!tpu.dma_semaphore, #tpu.memory_space<semaphore_mem>>)
    %dma_wait3A_11 = tpu.memref_slice %arg3[%add3A_5] : memref<196608xi32, #tpu.memory_space<hbm>> -> memref<3072xi32, #tpu.memory_space<hbm>>
    %dma_wait3A_12 = tpu.memref_slice %arg3[%add3A_5] : memref<196608xi32, #tpu.memory_space<hbm>> -> memref<3072xi32, #tpu.memory_space<hbm>>
    tpu.wait_dma2 semaphore(%arg9 : memref<!tpu.dma_semaphore, #tpu.memory_space<semaphore_mem>>) src(%dma_wait3A_12 : memref<3072xi32, #tpu.memory_space<hbm>>) dst(%arg6 : memref<3072xi32, #tpu.memory_space<vmem>>)
    %dma_start3A_13 = arith.constant 0 : i32
    %dma_start3A_14 = tpu.memref_slice %arg2[%dma_start3A_13] : memref<50331648xf32, #tpu.memory_space<hbm>> -> memref<50331648xf32, #tpu.memory_space<hbm>>
    tpu.enqueue_indirect_dma source(%dma_start3A_14 : memref<50331648xf32, #tpu.memory_space<hbm>>) target(%arg8 : memref<3072xf32, #tpu.memory_space<vmem>>) offsets(%arg6 : memref<3072xi32, #tpu.memory_space<vmem>>) semaphore(%arg10 : memref<!tpu.dma_semaphore, #tpu.memory_space<semaphore_mem>>)
    %dma_wait3A_15 = arith.constant 0 : i32
    %dma_wait3A_16 = tpu.memref_slice %arg2[%dma_wait3A_15] : memref<50331648xf32, #tpu.memory_space<hbm>> -> memref<50331648xf32, #tpu.memory_space<hbm>>
    tpu.wait_indirect_dma semaphore(%arg10 : memref<!tpu.dma_semaphore, #tpu.memory_space<semaphore_mem>>) src(%dma_wait3A_16 : memref<50331648xf32, #tpu.memory_space<hbm>>) dst(%arg7 : memref<3072xf32, #tpu.memory_space<vmem>>)
    "tpu.region"() ({
      %run_scoped3A = tpu.sem_alloc : memref<!tpu.dma_semaphore, #tpu.memory_space<semaphore_mem>>
      %dma_start3A_21 = tpu.memref_slice %arg4[%mul3A_2] : memref<196608xf32, #tpu.memory_space<hbm>> -> memref<3072xf32, #tpu.memory_space<hbm>>
      %dma_start3A_22 = tpu.memref_slice %arg4[%mul3A_2] : memref<196608xf32, #tpu.memory_space<hbm>> -> memref<3072xf32, #tpu.memory_space<hbm>>
      tpu.enqueue_dma source(%arg7 : memref<3072xf32, #tpu.memory_space<vmem>>) target(%dma_start3A_22 : memref<3072xf32, #tpu.memory_space<hbm>>) target_semaphore(%run_scoped3A : memref<!tpu.dma_semaphore, #tpu.memory_space<semaphore_mem>>)
      %dma_wait3A_23 = tpu.memref_slice %arg4[%mul3A_2] : memref<196608xf32, #tpu.memory_space<hbm>> -> memref<3072xf32, #tpu.memory_space<hbm>>
      %dma_wait3A_24 = tpu.memref_slice %arg4[%mul3A_2] : memref<196608xf32, #tpu.memory_space<hbm>> -> memref<3072xf32, #tpu.memory_space<hbm>>
      tpu.wait_dma2 semaphore(%run_scoped3A : memref<!tpu.dma_semaphore, #tpu.memory_space<semaphore_mem>>) src(%arg7 : memref<3072xf32, #tpu.memory_space<vmem>>) dst(%dma_wait3A_24 : memref<3072xf32, #tpu.memory_space<hbm>>)
      tpu.yield
    }) : () -> ()
    %dma_wait3A_17 = arith.constant 0 : i32
    %dma_wait3A_18 = tpu.memref_slice %arg2[%dma_wait3A_17] : memref<50331648xf32, #tpu.memory_space<hbm>> -> memref<50331648xf32, #tpu.memory_space<hbm>>
    tpu.wait_indirect_dma semaphore(%arg10 : memref<!tpu.dma_semaphore, #tpu.memory_space<semaphore_mem>>) src(%dma_wait3A_18 : memref<50331648xf32, #tpu.memory_space<hbm>>) dst(%arg8 : memref<3072xf32, #tpu.memory_space<vmem>>)
    %add3A_19 = arith.constant 3072 : i32
    %add3A_20 = arith.addi %mul3A_2, %add3A_19 : i32
    "tpu.region"() ({
      %run_scoped3A = tpu.sem_alloc : memref<!tpu.dma_semaphore, #tpu.memory_space<semaphore_mem>>
      %dma_start3A_21 = tpu.memref_slice %arg4[%add3A_20] : memref<196608xf32, #tpu.memory_space<hbm>> -> memref<3072xf32, #tpu.memory_space<hbm>>
      %dma_start3A_22 = tpu.memref_slice %arg4[%add3A_20] : memref<196608xf32, #tpu.memory_space<hbm>> -> memref<3072xf32, #tpu.memory_space<hbm>>
      tpu.enqueue_dma source(%arg8 : memref<3072xf32, #tpu.memory_space<vmem>>) target(%dma_start3A_22 : memref<3072xf32, #tpu.memory_space<hbm>>) target_semaphore(%run_scoped3A : memref<!tpu.dma_semaphore, #tpu.memory_space<semaphore_mem>>)
      %dma_wait3A_23 = tpu.memref_slice %arg4[%add3A_20] : memref<196608xf32, #tpu.memory_space<hbm>> -> memref<3072xf32, #tpu.memory_space<hbm>>
      %dma_wait3A_24 = tpu.memref_slice %arg4[%add3A_20] : memref<196608xf32, #tpu.memory_space<hbm>> -> memref<3072xf32, #tpu.memory_space<hbm>>
      tpu.wait_dma2 semaphore(%run_scoped3A : memref<!tpu.dma_semaphore, #tpu.memory_space<semaphore_mem>>) src(%arg8 : memref<3072xf32, #tpu.memory_space<vmem>>) dst(%dma_wait3A_24 : memref<3072xf32, #tpu.memory_space<hbm>>)
      tpu.yield
    }) : () -> ()
    return
  }
}

</mosaic_0001>

<sc_bundles>
// kernel: kernel.3.cloned.1.call-start
scs
__scs_entry_jumppad:
0x0: {  	(pc) =	sbr.rel $0x88, $3  }
0x1: {  	(tag) =	ssettag $0x0;
	lr =	simm.s32 $0x1  }
0x2: {  	[smem:$0x3FA0] =	sst lr;
	_ =	strace $0xD0000000  }
0x3: {  	_ = 	snop  }
0x4: {  	_ = 	snop  }
0x5: {  	_ = 	snop  }
0x6: {  	_ = 	snop  }
0x7: {  	_ = 	snop  }
__scs_overlays_trampoline_lowered:
0x8: {  	[smem:$0x3FAF] =	sst s0  }
0x9: {  	[smem:$0x3FB0] =	sst s1  }
0xa: {  	[smem:$0x3FB1] =	sst s2  }
0xb: {  	[smem:$0x3FB2] =	sst s3  }
0xc: {  	[smem:$0x3FB3] =	sst s4  }
0xd: {  	[smem:$0x3FB4] =	sst s5  }
0xe: {  	[smem:$0x3FB5] =	sst s6  }
0xf: {  	[smem:$0x3FB6] =	sst s7  }
0x10: {  	[smem:$0x3FB7] =	sst s8  }
0x11: {  	[smem:$0x3FB8] =	sst s9;
	s0 =	simm.s32 @!p0 $0x0  }
0x12: {  	s1 =	sld [smem:$0x3F9E];
	s0 =	simm.s32 @p0 $0x1  }
0x13: {  	[smem:$0x3FB9] =	sst s0;
	s0 =	simm.s32 @!p1 $0x0  }
0x14: {  	s2 =	sld [smem:$0x3F9D];
	s0 =	simm.s32 @p1 $0x1  }
0x15: {  	[smem:$0x3FBA] =	sst s0;
	s0 =	simm.s32 @!p2 $0x0  }
0x16: {  	s3 =	sld [smem:$0x3FDB];
	s0 =	simm.s32 @p2 $0x1  }
0x17: {  	s4 =	simm.s32 $0x1BF5;
	[smem:$0x3FBC] =	sst s0  }
0x18: {  	s0 =	sld [smem:$0x3F9F];
	_ =	swait.ge [sflag:s4], $0x0  }
0x19: {  	s7 =	sld [smem:$0x3FA0]  }
0x1a: {  	s8 =	sadd.s32 $0xFFFFE003, lr  }
0x1b: {  	s9 =	sadd.s32 $0xFFFFFEF7, lr;
	s5 =	simm.s32 $0xFFFFFFFF;
	p2 =	slt.u32 s8, $0xFFFFF086  }
0x1c: {  	p1 =	slt.u32 s9, $0xF7A;
	s5 =	simm.s32 @!p2 $0x0  }
0x1d: {  	s5 =	simm.s32 @p1 $0x1;
	p0 =	seq.s32 s7, s2  }
0x1e: {  	s7 =	smul.u32 @!p0 $0xF7A, s2;
	p2 =	seq.s32 @!p0 s5, $0x0  }
0x1f: {  	s9 =	smul.u32 $0xF7A, s1;
	s8 =	simm.s32 @!p0 $0x1BF5;
	p2 =	por !p2, p0  }
0x20: {  	[sflag:s8] =	ssyncset.s32 @!p0 $0xFFFFF086;
	s6 =	sadd.s32 @!p0 s3, s7;
	s7 =	simm.s32 @!p0 $0x108  }
0x21: {  	s3 =	sadd.s32 s3, s9;
	s6 =	sadd.s32 @!p0 $0x88, s6;
	s7 =	simm.s32 @p2 $0x1082  }
0x22: {  	[simem:s7], [sflag:s8] =	dma.local @!p0 [hbm:s6], $0xF7A  }
0x23: {  	s9 =	sor.u32 $0xD0000000, s2;
	s6 =	simm.s32 $0x108;
	_ =	swait.ge @!p0 [sflag:s8], $0x0  }
0x24: {  	s3 =	sadd.s32 $0x88, s3;
	s6 =	simm.s32 @!p1 $0x1082;
	[sflag:s4] =	ssyncset.s32 $0xFFFFF086  }
0x25: {  	[simem:s6], [sflag:s4] =	dma.local [hbm:s3], $0xF7A  }
0x26: {  	[smem:$0x3FA0] =	sst s1;
	(tag) =	ssettag s2;
	_ =	strace s9  }
0x27: {  	s1 =	sld [smem:$0x3FB0]  }
0x28: {  	s2 =	sld [smem:$0x3FB1]  }
0x29: {  	s4 =	sld [smem:$0x3FB3]  }
0x2a: {  	p0 =	seq.s32 s5, $0x0;
	s5 =	sld [smem:$0x3FB4]  }
0x2b: {  	s6 =	sld [smem:$0x3FB5]  }
0x2c: {  	s7 =	sld [smem:$0x3FB6]  }
0x2d: {  	s3 =	simm.s32 $0x108;
	s8 =	sld [smem:$0x3FB7]  }
0x2e: {  	s3 =	simm.s32 @!p0 $0x1082;
	s9 =	sld [smem:$0x3FB8]  }
0x2f: {  	lr =	sadd.s32 s0, s3;
	s0 =	sld [smem:$0x3FAF]  }
0x30: {  	s3 =	sld [smem:$0x3FB2]  }
0x31: {  	[smem:$0x3FBB] =	sst s10  }
0x32: {  	s10 =	sld [smem:$0x3FB9];
	_ =	sdelay $0x3  }
0x33: {  	p0 =	seq.s32 s10, $0x1;
	s10 =	sld [smem:$0x3FBB];
	_ =	sdelay $0x3  }
0x34: {  	[smem:$0x3FBB] =	sst s10  }
0x35: {  	s10 =	sld [smem:$0x3FBA];
	_ =	sdelay $0x3  }
0x36: {  	p1 =	seq.s32 s10, $0x1;
	s10 =	sld [smem:$0x3FBB];
	_ =	sdelay $0x3  }
0x37: {  	[smem:$0x3FBB] =	sst s10  }
0x38: {  	s10 =	sld [smem:$0x3FBC]  }
0x39: {  	_ = 	snop;
	(pc) =	sbr.ind lr, $3  }
0x3a: {  	_ = 	snop  }
0x3b: {  	_ = 	snop  }
0x3c: {  	p2 =	seq.s32 s10, $0x1;
	s10 =	sld [smem:$0x3FBB]  }
0x3d: {  	_ =	shalt  }
0x3e: {  	_ =	shalt  }
0x3f: {  	_ =	shalt  }
0x40: {  	_ =	shalt  }
0x41: {  	_ =	shalt  }
0x42: {  	_ =	shalt  }
0x43: {  	_ =	shalt  }
0x44: {  	_ =	shalt  }
0x45: {  	_ =	shalt  }
0x46: {  	_ =	shalt  }
0x47: {  	_ =	shalt  }
0x48: {  	_ =	shalt  }
0x49: {  	_ =	shalt  }
0x4a: {  	_ =	shalt  }
0x4b: {  	_ =	shalt  }
0x4c: {  	_ =	shalt  }
0x4d: {  	_ =	shalt  }
0x4e: {  	_ =	shalt  }
0x4f: {  	_ =	shalt  }
0x50: {  	_ =	shalt  }
0x51: {  	_ =	shalt  }
0x52: {  	_ =	shalt  }
0x53: {  	_ =	shalt  }
0x54: {  	_ =	shalt  }
0x55: {  	_ =	shalt  }
0x56: {  	_ =	shalt  }
0x57: {  	_ =	shalt  }
0x58: {  	_ =	shalt  }
0x59: {  	_ =	shalt  }
0x5a: {  	_ =	shalt  }
0x5b: {  	_ =	shalt  }
0x5c: {  	_ =	shalt  }
0x5d: {  	_ =	shalt  }
0x5e: {  	_ =	shalt  }
0x5f: {  	_ =	shalt  }
0x60: {  	_ =	shalt  }
0x61: {  	_ =	shalt  }
0x62: {  	_ =	shalt  }
0x63: {  	_ =	shalt  }
0x64: {  	_ =	shalt  }
0x65: {  	_ =	shalt  }
0x66: {  	_ =	shalt  }
0x67: {  	_ =	shalt  }
0x68: {  	_ =	shalt  }
0x69: {  	_ =	shalt  }
0x6a: {  	_ =	shalt  }
0x6b: {  	_ =	shalt  }
0x6c: {  	_ =	shalt  }
0x6d: {  	_ =	shalt  }
0x6e: {  	_ =	shalt  }
0x6f: {  	_ =	shalt  }
0x70: {  	_ =	shalt  }
0x71: {  	_ =	shalt  }
0x72: {  	_ =	shalt  }
0x73: {  	_ =	shalt  }
0x74: {  	_ =	shalt  }
0x75: {  	_ =	shalt  }
0x76: {  	_ =	shalt  }
0x77: {  	_ =	shalt  }
0x78: {  	_ =	shalt  }
0x79: {  	_ =	shalt  }
0x7a: {  	_ =	shalt  }
0x7b: {  	_ =	shalt  }
0x7c: {  	_ =	shalt  }
0x7d: {  	_ =	shalt  }
0x7e: {  	_ =	shalt  }
0x7f: {  	_ =	shalt  }
0x80: {  	_ =	shalt  }
0x81: {  	_ =	shalt  }
0x82: {  	_ =	shalt  }
0x83: {  	_ =	shalt  }
0x84: {  	_ =	shalt  }
0x85: {  	_ =	shalt  }
0x86: {  	_ =	shalt  }
0x87: {  	_ =	shalt  }
.Lfunc_end0:
.L_simem_size_0:
called_computation_lowered:
.L_overlay_start_0:
0x88: {  	s2 =	sld [smem:$0x3FD9]  }
0x89: {  	s3 =	sld [smem:$0x3FFE];
	_ =	sdelay $0x1  }
0x8a: {  	s1 =	srdreg.scid  }
0x8b: {  	s0 =	sand.u32 $0x1, s1  }
0x8c: {  	s17 =	sshll.u32 s0, $0xA;
	s2 =	sadd.s32 s3, s2  }
0x8d: {  	s2 =	sadd.s32 s2, s17  }
0x8e: {  	[smem:$0x3FC7] =	sst s2  }
0x8f: {  	_ = 	snop  }
0x90: {  	s2 =	sld [smem:$0x3FC9]  }
0x91: {  	s18 =	sld [smem:$0x3FD0];
	(tm) =	ssettm $0x1  }
0x92: {  	s4 =	sld [smem:$0x3FFB];
	_ =	sdelay $0x3  }
0x93: {  	_ =	strace s4  }
0x94: {  	s4 =	sld [smem:$0x3FFC];
	_ =	sdelay $0x3  }
0x95: {  	_ =	strace s4  }
0x96: {  	s4 =	sld [smem:$0x3FFD];
	_ =	sdelay $0x3  }
0x97: {  	_ =	strace s4  }
0x98: {  	_ =	strace $0x8FFFFFFF  }
0x99: {  	s19 =	sld [smem:$0x3FDB];
	_ =	sdelay $0x1  }
0x9a: {  	s5 =	simm.s32 $_scs_section_size  }
0x9b: {  	s6 =	simm.s32 $_size__tile_overlayer_lowered;
	s7 =	simm.s32 $_tile_overlayer_lowered  }
0x9c: {  	s22 =	simm.s32 $0x1BFF;
	s21 =	sshll.u32 s7, $0x1;
	s4 =	sadd.s32 s5, s19  }
0x9d: {  	s8 =	simm.s32 $0x0;
	s20 =	sshll.u32 s6, $0x1;
	s6 =	sadd.s32 s21, s4  }
0x9e: {  	[timem:s8], [sflag:s22] =	dma.local [hbm:s6], s20  }
0x9f: {  	_ =	swait.ge [sflag:s22], s20  }
0xa0: {  	s5 =	ssub.s32 $0x0, s20;
	[sflag:s22] =	ssyncset.done $0x0  }
0xa1: {  	[sflag:s22] =	ssyncadd.s32 s5;
	_ =	sdelay $0x1  }
0xa2: {  	s23 =	simm.s32 $0x1B8B  }
0xa3: {  	_ =	swait.ge [sflag:s23], $0x1  }
0xa4: {  	[sflag:s23] =	ssyncset.done $0x0  }
0xa5: {  	s25 =	simm.s32 $0x1B8E;
	s24 =	sld [smem:$0x3FFE];
	[sflag:s23] =	ssyncadd.s32 $0xFFFFFFFF  }
0xa6: {  	s26 =	simm.s32 $execute0_lowered;
	[smem:$0x3FD2] =	sst s25  }
0xa7: {  	s6 =	sshll.u32 s26, $0x1;
	_ =	strace $0x80000046;
	[dreg:$0x1] =	wrdreg $0xFFFFFFFF  }
0xa8: {  	s28 =	simm.s32 $_size_execute0_lowered;
	s4 =	sadd.s32 s4, s6;
	[dreg:$0x0] =	wrdreg $0x0  }
0xa9: {  	s6 =	sshll.u32 s28, $0x1;
	[dreg:$0x2] =	wrdreg s4  }
0xaa: {  	[dreg:$0x3] =	wrdreg s6  }
0xab: {  	[dreg:$0x4] =	wrdreg $0xC0  }
0xac: {  	_ =	task [dreg:s8], $0x5FFFF  }
0xad: {  	[dreg:$0x1] =	wrdreg $0xFFFFFFFF  }
0xae: {  	[dreg:$0x0] =	wrdreg $0x60  }
0xaf: {  	[dreg:$0x2] =	wrdreg s2  }
0xb0: {  	[dreg:$0x3] =	wrdreg s24  }
0xb1: {  	[dreg:$0x4] =	wrdreg s18  }
0xb2: {  	[dreg:$0x5] =	wrdreg $0x9  }
0xb3: {  	_ =	task.clear_ibuf [dreg:s8], $0x6FFFF;
	_ =	strace $0x90000046  }
0xb4: {  	s29 =	simm.s32 $0x9;
	_ =	strace $0x80000048  }
0xb5: {  	_ =	swait.ge [sflag:s29], $0x1  }
0xb6: {  	[sflag:s29] =	ssyncadd.s32 $0xFFFFFFFF  }
0xb7: {  	_ =	strace $0x90000048  }
0xb8: {  	_ =	sfence  }
0xb9: {  	s30 =	sld [smem:$0x0];
	_ =	sdelay $0x2  }
0xba: {  	s31 =	sshll.u32 s1, $0xD;
	s1 =	sshrl.u32 s1, $0x2  }
0xbb: {  	s3 =	sand.u32 $0x4000, s31;
	s1 =	sadd.s32 s1, s30  }
0xbc: {  	s0 =	sor.u32 s3, s0;
	s1 =	sshll.u32 s1, $0x11  }
0xbd: {  	s0 =	sor.u32 s1, s0  }
0xbe: {  	s0 =	sadd.s32 $0x8F2B, s0  }
0xbf: {  	[sflag:s0] =	ssyncadd.remote.s32 $0x1  }
0xc0: {  	_ =	sfence.sel $0xFFFF  }
0xc1: {  	[dreg:$0x0] =	wrdreg $0xFFFFFFFF;
	(pc) =	sbr.abs _section_cstart, $3  }
0xc2: {  	[dreg:$0x1] =	wrdreg $0xFFFFFFFF  }
0xc3: {  	_ =	task.clear_ibuf [dreg:s8], $0x2FFFF;
	_ =	strace $0x9FFFFFFF  }
0xc4: {  	(tm) =	ssettm $0x7FFFFFFF  }
0xc5: {  	_ =	shalt  }
tec
execute0_lowered:
.L_overlay_start_1:
0x0: {  	(tag) =	ssettag $0x1  }
0x1: {  	s1 =	srdreg.scid;
	s0 =	stileid.u32  }
0x2: {  	s2 =	rddreg [dreg:$0x0];
	s13 =	sand.u32 $0x1, s1;
	s30 =	sshll.u32 s0, $0x1  }
0x3: {  	s4 =	rddreg [dreg:$0x1];
	s1 =	sor.u32 s13, s30  }
0x4: {  	s14 =	rddreg [dreg:$0x2];
	s3 =	simm.s32 $0x0;
	s5 =	smul.u32 $0x1800, s1  }
0x5: {  	[smem:$0x7FF] =	sst s3  }
0x6: {  	s6 =	sadd.s32 $0x400, s4;
	s1 =	rddreg [dreg:$0x3];
	s11 =	sshrl.u32 s5, $0x3  }
0x7: {  	_ =	strace $0x80000047;
	s4 =	sadd.s32 s6, s11;
	s15 =	sadd.s32 $0x180, s11  }
0x8: {  	[tilespmem:s3], [sflag:$0x1] =	stream.linear.gather [hbm4b:s4+s3], $0xC00, $0x38;
	[tilespmem:$0x3000] =	vst v63  }
0x9: {  	s7 =	simm.s32 $0x1;
	s5 =	sadd.s32 s6, s15;
	s6 =	simm.s32 $0xC00  }
0xa: {  	[tilespmem:s6], [sflag:$0x1] =	stream.linear.gather [hbm4b:s5+s3], $0xC00, $0x38;
	[tilespmem:$0x3000] =	vst v63  }
0xb: {  	_ =	swait.ge [sflag:s7], $0xC00  }
0xc: {  	[sflag:s7] =	ssyncset.done $0x0  }
0xd: {  	s8 =	simm.s32 $0x1800;
	[sflag:s7] =	ssyncadd.s32 $0xFFFFF400  }
0xe: {  	[tilespmem:s8], [sflag:$0x2] =	stream.indirect.gather [hbm4b:s2+s6], $0x1, s3, s6, $0xb8;
	[tilespmem:$0x3000] =	vst v63  }
0xf: {  	_ =	swait.ge [sflag:s7], $0xC00  }
0x10: {  	[sflag:s7] =	ssyncset.done $0x0  }
0x11: {  	s9 =	simm.s32 $0x2400;
	s10 =	simm.s32 $0x2;
	[sflag:s7] =	ssyncadd.s32 $0xFFFFF400  }
0x12: {  	[tilespmem:s9], [sflag:$0x2] =	stream.indirect.gather [hbm4b:s2+s6], $0x1, s6, s6, $0xb8;
	[tilespmem:$0x3000] =	vst v63  }
0x13: {  	_ =	swait.ge [sflag:s10], $0xC00  }
0x14: {  	s13 =	ssub.s32 $0x2, s13;
	[sflag:s10] =	ssyncset.done $0x0  }
0x15: {  	s12 =	sadd.s32 s14, s11;
	s11 =	simm.s32 $0x3;
	[sflag:s10] =	ssyncadd.s32 $0xFFFFF400  }
0x16: {  	[hbm4b:s12+s3] =	stream.linear.scatter [tilespmem:s8], [sflag:$0x3], $0xC00, $0x38;
	[tilespmem:$0x3000] =	vst v63  }
0x17: {  	s16 =	sshrl.u32 s13, $0x1;
	_ =	swait.ge [sflag:s11], $0xC00  }
0x18: {  	s16 =	ssub.s32 s13, s16;
	[sflag:s11] =	ssyncset.done $0x0  }
0x19: {  	s31 =	smax.u32 s16, $0x1;
	[sflag:s11] =	ssyncadd.s32 $0xFFFFF400  }
0x1a: {  	p0 =	sne.s32 s31, $0x1;
	_ =	swait.ge [sflag:s10], $0xC00  }
.Ltmp0:
0x1b: {  	[sflag:s10] =	ssyncset.done $0x0;
	(pc) =	sbr.rel @!p0 .LBB2_2-.Ltmp0, $4  }
0x1c: {  	s13 =	sadd.s32 s14, s15;
	[sflag:s10] =	ssyncadd.s32 $0xFFFFF400  }
0x1d: {  	[hbm4b:s13+s3] =	stream.linear.scatter [tilespmem:s9], [sflag:$0x3], $0xC00, $0x38;
	[tilespmem:$0x3000] =	vst v63  }
0x1e: {  	_ =	swait.ge [sflag:s11], $0xC00  }
0x1f: {  	s14 =	sadd.s32 $0xFFFFFFFF, s31;
	[sflag:s11] =	ssyncset.done $0x0  }
.LBB2_1:
0x20: {  	p0 =	sne.s32 s14, $0x1;
	s14 =	sadd.s32 $0xFFFFFFFF, s14;
	[sflag:s11] =	ssyncadd.s32 $0xFFFFF400  }
0x21: {  	[tilespmem:s3], [sflag:$0x1] =	stream.linear.gather [hbm4b:s4+s3], $0xC00, $0x38;
	[tilespmem:$0x3000] =	vst v63  }
0x22: {  	_ = 	snop  }
0x23: {  	[tilespmem:s6], [sflag:$0x1] =	stream.linear.gather [hbm4b:s5+s3], $0xC00, $0x38;
	[tilespmem:$0x3000] =	vst v63  }
0x24: {  	_ =	swait.ge [sflag:s7], $0xC00  }
0x25: {  	[sflag:s7] =	ssyncset.done $0x0  }
0x26: {  	[sflag:s7] =	ssyncadd.s32 $0xFFFFF400  }
0x27: {  	[tilespmem:s8], [sflag:$0x2] =	stream.indirect.gather [hbm4b:s2+s6], $0x1, s3, s6, $0xb8;
	[tilespmem:$0x3000] =	vst v63  }
0x28: {  	_ =	swait.ge [sflag:s7], $0xC00  }
0x29: {  	[sflag:s7] =	ssyncset.done $0x0  }
0x2a: {  	[sflag:s7] =	ssyncadd.s32 $0xFFFFF400  }
0x2b: {  	[tilespmem:s9], [sflag:$0x2] =	stream.indirect.gather [hbm4b:s2+s6], $0x1, s6, s6, $0xb8;
	[tilespmem:$0x3000] =	vst v63  }
0x2c: {  	_ =	swait.ge [sflag:s10], $0xC00  }
0x2d: {  	[sflag:s10] =	ssyncset.done $0x0  }
0x2e: {  	[sflag:s10] =	ssyncadd.s32 $0xFFFFF400  }
0x2f: {  	[hbm4b:s12+s3] =	stream.linear.scatter [tilespmem:s8], [sflag:$0x3], $0xC00, $0x38;
	[tilespmem:$0x3000] =	vst v63  }
0x30: {  	_ =	swait.ge [sflag:s11], $0xC00  }
0x31: {  	[sflag:s11] =	ssyncset.done $0x0  }
0x32: {  	[sflag:s11] =	ssyncadd.s32 $0xFFFFF400  }
0x33: {  	_ =	swait.ge [sflag:s10], $0xC00  }
.Ltmp1:
0x34: {  	[sflag:s10] =	ssyncset.done $0x0;
	(pc) =	sbr.rel @p0 .LBB2_1-.Ltmp1, $4  }
0x35: {  	[sflag:s10] =	ssyncadd.s32 $0xFFFFF400  }
0x36: {  	[hbm4b:s13+s3] =	stream.linear.scatter [tilespmem:s9], [sflag:$0x3], $0xC00, $0x38;
	[tilespmem:$0x3000] =	vst v63  }
0x37: {  	_ =	swait.ge [sflag:s11], $0xC00  }
0x38: {  	[sflag:s11] =	ssyncset.done $0x0  }
.LBB2_2:
0x39: {  	[sflag:s11] =	ssyncadd.s32 $0xFFFFF400  }
0x3a: {  	_ =	sfence.sel $0x180000  }
0x3b: {  	[bflag:$0x0] =	sbarrier.arrive $0xFFFF  }
0x3c: {  	p0 =	sne.s32 s0, $0x0;
	_ =	strace $0x90000047  }
0x3d: {  	s0 =	sadd.s32 @!p0 $0x100000, s1;
	[bflag:$0x2] =	sbarrier.arrive $0xFFFF  }
0x3e: {  	[sflag:s0] =	ssyncadd.tile.s32 @!p0 $0x1;
	_ =	shalt  }
.Lfunc_end2:
_tile_overlayer_lowered:
.L_overlay_start_2:
0x3f: {  	(tag) =	ssettag $0x2  }
0x40: {  	s0 =	rddreg [dreg:$0x0];
	s2 =	stileid.u32  }
0x41: {  	s1 =	rddreg [dreg:$0x1];
	p0 =	sne.s32 s2, $0x0  }
0x42: {  	s3 =	rddreg [dreg:$0x2];
	[bflag:$0x3] =	sbarrier.arrive $0xFFFF;
	s2 =	simm.s32 @!p0 $0x1C03  }
0x43: {  	[timem:s3], [sflag:s2] =	dma.local @!p0 [hbm:s0], s1  }
0x44: {  	s0 =	simm.s32 @!p0 $0x3  }
0x45: {  	_ =	swait.ge @!p0 [sflag:s0], s1  }
0x46: {  	s1 =	ssub.s32 @!p0 $0x0, s1;
	[sflag:s0] =	ssyncset.done @!p0 $0x0  }
0x47: {  	[sflag:s0] =	ssyncadd.s32 @!p0 s1  }
0x48: {  	[bflag:$0x3] =	sbarrier.arrive $0xFFFF  }
0x49: {  	_ =	shalt  }

</sc_bundles>
